<compile_context>
chip_gen: v7x
topology: tpu7x:2x2x1
jax: 0.10.2.dev20260603
libtpu: 0.0.44.dev20260713+nightly
codegen_flags: <defaults>
</compile_context>

<pallas_src>
import jax
import jax.numpy as jnp
from jax.experimental import pallas as pl
from jax.experimental.pallas import tpu as pltpu


def _conv1d(x, w, b, stride, pad):
    y = jax.lax.conv_general_dilated(x, w, (stride,), [(pad, pad)],
                                     dimension_numbers=('NCH', 'OIH', 'NCH'))
    return y + b[None, :, None]


def _conv_t1d(x, w, b, stride, pad):
    k = w.shape[2]
    w2 = jnp.transpose(jnp.flip(w, axis=2), (1, 0, 2))
    y = jax.lax.conv_general_dilated(x, w2, (1,), [(k - 1 - pad, k - 1 - pad)],
                                     lhs_dilation=(stride,),
                                     dimension_numbers=('NCH', 'OIH', 'NCH'))
    return y + b[None, :, None]


_BLK_M = 2048
_BLK_N = 2048
_BIG = 2 ** 30


def _vq_argmin_kernel(zsq_ref, cbsq_ref, z_ref, cb_ref, idx_ref,
                      best_ref, bidx_ref):
    j = pl.program_id(1)
    nj = pl.num_programs(1)

    zc = jax.lax.dot_general(z_ref[...], cb_ref[...], (((1,), (1,)), ((), ())),
                             preferred_element_type=jnp.float32)
    d = (zsq_ref[...] + cbsq_ref[...]) - 2.0 * zc
    lmin = jnp.min(d, axis=1, keepdims=True)
    col = jax.lax.broadcasted_iota(jnp.int32, d.shape, 1) + j * _BLK_N
    lidx = jnp.min(jnp.where(d == lmin, col, _BIG), axis=1, keepdims=True)

    @pl.when(j == 0)
    def _init():
        best_ref[...] = lmin
        bidx_ref[...] = lidx

    @pl.when(j > 0)
    def _combine():
        acc = best_ref[...].astype(jnp.bfloat16).astype(jnp.float32)
        acci = bidx_ref[...]
        upd = (lmin < acc) | ((lmin == acc) & (lidx < acci))
        best_ref[...] = jnp.where(upd, lmin, acc)
        bidx_ref[...] = jnp.where(upd, lidx, acci)

    @pl.when(j == nj - 1)
    def _emit():
        idx_ref[...] = bidx_ref[...]


def _vq_argmin(zf, codebook, z_sq, cb_sq):
    n, d = zf.shape
    k = codebook.shape[0]
    grid = (n // _BLK_M, k // _BLK_N)
    idx = pl.pallas_call(
        _vq_argmin_kernel,
        grid=grid,
        in_specs=[
            pl.BlockSpec((_BLK_M, 1), lambda i, j: (i, 0)),
            pl.BlockSpec((1, _BLK_N), lambda i, j: (0, j)),
            pl.BlockSpec((_BLK_M, d), lambda i, j: (i, 0)),
            pl.BlockSpec((_BLK_N, d), lambda i, j: (j, 0)),
        ],
        out_specs=pl.BlockSpec((_BLK_M, 1), lambda i, j: (i, 0)),
        out_shape=jax.ShapeDtypeStruct((n, 1), jnp.int32),
        scratch_shapes=[
            pltpu.VMEM((_BLK_M, 1), jnp.float32),
            pltpu.VMEM((_BLK_M, 1), jnp.int32),
        ],
    )(z_sq, cb_sq.reshape(1, k), zf, codebook)
    return idx[:, 0]


def kernel(x, enc_w1, enc_b1, enc_w2, enc_b2, enc_w3, enc_b3, codebook,
           dec_w1, dec_b1, dec_wt2, dec_bt2, dec_wt3, dec_bt3):
    xc = jnp.transpose(x, (0, 2, 1))
    h = jax.nn.relu(_conv1d(xc, enc_w1, enc_b1, 2, 1))
    h = h.astype(jnp.bfloat16).astype(jnp.float32)
    h = jax.nn.relu(_conv1d(h, enc_w2, enc_b2, 2, 1))
    h = h.astype(jnp.bfloat16).astype(jnp.float32)
    z = _conv1d(h, enc_w3, enc_b3, 1, 1)
    zt = jnp.transpose(z, (0, 2, 1))
    zf = zt.reshape(-1, zt.shape[-1])
    z_sq = jnp.sum(zf ** 2, axis=1, keepdims=True)
    cb_sq = jnp.sum(codebook ** 2, axis=1)
    idx = _vq_argmin(zf, codebook, z_sq, cb_sq)
    zq = jnp.take(codebook, idx, axis=0).reshape(zt.shape)
    commit_loss = jnp.mean((jax.lax.stop_gradient(zq) - zt) ** 2)
    zq_st = zt + jax.lax.stop_gradient(zq - zt)
    dq = jnp.transpose(zq_st, (0, 2, 1))
    r = jax.nn.relu(_conv1d(dq, dec_w1, dec_b1, 1, 1))
    r = jax.nn.relu(_conv_t1d(r, dec_wt2, dec_bt2, 2, 1))
    r = _conv_t1d(r, dec_wt3, dec_bt3, 2, 1)
    recon = jnp.transpose(r, (0, 2, 1))
    return (recon, zq_st, commit_loss)

# --- scband reference (transcript-rebuilt; emitter-appended) ---
"""Pipeline reference for scband-vqvae-81003083202733 (READ-ONLY COPY).

The authoritative reference and input builder live on the scoring server;
editing this copy changes nothing except your own understanding.
"""

import jax, jax.numpy as jnp
import numpy as np


def conv1d(x, w, b, stride, pad):
    # x: [N, C, L], w: [O, I, K] (PyTorch Conv1d layout)
    y = jax.lax.conv_general_dilated(x, w, (stride,), [(pad, pad)],
                                     dimension_numbers=('NCH', 'OIH', 'NCH'))
    return y + b[None, :, None]


def conv_t1d(x, w, b, stride, pad):
    # PyTorch ConvTranspose1d: w is [I, O, K]; equivalent to lhs-dilated conv with flipped kernel
    k = w.shape[2]
    w2 = jnp.transpose(jnp.flip(w, axis=2), (1, 0, 2))  # [O, I, K]
    y = jax.lax.conv_general_dilated(x, w2, (1,), [(k - 1 - pad, k - 1 - pad)],
                                     lhs_dilation=(stride,),
                                     dimension_numbers=('NCH', 'OIH', 'NCH'))
    return y + b[None, :, None]


def setup_inputs(seed: int = 0) -> dict:
    key = jax.random.key(seed)
    ks = jax.random.split(key, 16)
    def n(k, shape, scale=0.02):
        return jax.random.normal(k, shape, dtype=jnp.float32) * scale
    K, D, H, C = 8192, 256, 512, 80
    inp = {
        'x': jax.random.normal(ks[0], (16, 2048, C), dtype=jnp.float32),
        'enc_w1': n(ks[1], (H, C, 4)),
        'enc_b1': jnp.zeros((H,), dtype=jnp.float32),
        'enc_w2': n(ks[2], (H, H, 4)),
        'enc_b2': jnp.zeros((H,), dtype=jnp.float32),
        'enc_w3': n(ks[3], (D, H, 3)),
        'enc_b3': jnp.zeros((D,), dtype=jnp.float32),
        'codebook': jax.random.uniform(ks[4], (K, D), minval=-1.0 / K, maxval=1.0 / K, dtype=jnp.float32),
        'dec_w1': n(ks[5], (H, D, 3)),
        'dec_b1': jnp.zeros((H,), dtype=jnp.float32),
        'dec_wt2': n(ks[6], (H, H, 4)),
        'dec_bt2': jnp.zeros((H,), dtype=jnp.float32),
        'dec_wt3': n(ks[7], (H, C, 4)),
        'dec_bt3': jnp.zeros((C,), dtype=jnp.float32),
    }
    return inp


def reference(x, enc_w1, enc_b1, enc_w2, enc_b2, enc_w3, enc_b3, codebook,
              dec_w1, dec_b1, dec_wt2, dec_bt2, dec_wt3, dec_bt3):
    xc = jnp.transpose(x, (0, 2, 1))  # [B, C, T]
    h = jax.nn.relu(conv1d(xc, enc_w1, enc_b1, 2, 1))
    h = jax.nn.relu(conv1d(h, enc_w2, enc_b2, 2, 1))
    z = conv1d(h, enc_w3, enc_b3, 1, 1)          # [B, D, T']
    zt = jnp.transpose(z, (0, 2, 1))             # [B, T', D]
    zf = zt.reshape(-1, zt.shape[-1])            # [B*T', D]
    d = (jnp.sum(zf ** 2, axis=1, keepdims=True)
         + jnp.sum(codebook ** 2, axis=1)
         - 2.0 * (zf @ codebook.T))
    idx = jnp.argmin(d, axis=1)
    zq = jnp.take(codebook, idx, axis=0).reshape(zt.shape)
    commit_loss = jnp.mean((jax.lax.stop_gradient(zq) - zt) ** 2)
    zq_st = zt + jax.lax.stop_gradient(zq - zt)  # straight-through
    dq = jnp.transpose(zq_st, (0, 2, 1))         # [B, D, T']
    r = jax.nn.relu(conv1d(dq, dec_w1, dec_b1, 1, 1))
    r = jax.nn.relu(conv_t1d(r, dec_wt2, dec_bt2, 2, 1))
    r = conv_t1d(r, dec_wt3, dec_bt3, 2, 1)      # [B, C, T]
    recon = jnp.transpose(r, (0, 2, 1))          # [B, T, C]
    return (recon, zq_st, commit_loss)

if __name__ == "__main__":
    import jax
    _d = setup_inputs()
    print(jax.jit(kernel)(*tuple(_d.values())))

</pallas_src>

<mosaic_0001>
module attributes {stable_mosaic.version = 14 : i64} {
  func.func @_vq_argmin_kernel(%arg0: i32, %arg1: i32, %arg2: memref<2048x1xf32, #tpu.memory_space<vmem>>, %arg3: memref<1x2048xf32, #tpu.memory_space<vmem>>, %arg4: memref<2048x256xf32, #tpu.memory_space<vmem>>, %arg5: memref<2048x256xf32, #tpu.memory_space<vmem>>, %arg6: memref<2048x1xi32, #tpu.memory_space<vmem>>, %arg7: memref<2048x1xf32, #tpu.memory_space<vmem>>, %arg8: memref<2048x1xi32, #tpu.memory_space<vmem>>) attributes {dimension_semantics = [#tpu.dimension_semantics<arbitrary>, #tpu.dimension_semantics<arbitrary>], iteration_bounds = array<i64: 4, 4>, scalar_prefetch = 0 : i64, scratch_operands = 2 : i64, tpu.core_type = #tpu.core_type<tc>, window_params = [{transform_indices = @transform_0, window_bounds = array<i64: 2048, 1>}, {transform_indices = @transform_1, window_bounds = array<i64: 1, 2048>}, {transform_indices = @transform_2, window_bounds = array<i64: 2048, 256>}, {transform_indices = @transform_3, window_bounds = array<i64: 2048, 256>}, {transform_indices = @transform_4, window_bounds = array<i64: 2048, 1>}]} {
    %get3A = arith.constant 0 : index
    %get3A_0 = arith.constant 0 : index
    %get3A_1 = vector.load %arg4[%get3A, %get3A_0] : memref<2048x256xf32, #tpu.memory_space<vmem>>, vector<2048x256xf32>
    %get3A_2 = arith.constant 0 : index
    %get3A_3 = arith.constant 0 : index
    %get3A_4 = vector.load %arg5[%get3A_2, %get3A_3] : memref<2048x256xf32, #tpu.memory_space<vmem>>, vector<2048x256xf32>
    %dot_general3A = arith.constant dense<0.000000e+00> : vector<2048x2048xf32>
    %dot_general3A_5 = tpu.matmul %get3A_1, %get3A_4, %dot_general3A {dimension_numbers = #tpu.dot_dimension_numbers<[1], [1], [0], [0], [0, 0, 1, 0], [], []>, transpose_lhs_hint = false} : vector<2048x256xf32>, vector<2048x256xf32>, vector<2048x2048xf32> -> vector<2048x2048xf32>
    %get3A_6 = arith.constant 0 : index
    %get3A_7 = arith.constant 0 : index
    %get3A_8 = vector.load %arg2[%get3A_6, %get3A_7] : memref<2048x1xf32, #tpu.memory_space<vmem>>, vector<2048x1xf32>
    %get3A_9 = arith.constant 0 : index
    %get3A_10 = arith.constant 0 : index
    %get3A_11 = vector.load %arg3[%get3A_9, %get3A_10] : memref<1x2048xf32, #tpu.memory_space<vmem>>, vector<1x2048xf32>
    %add3A = vector.broadcast %get3A_8 : vector<2048x1xf32> to vector<2048x2048xf32>
    %add3A_12 = vector.broadcast %get3A_11 : vector<1x2048xf32> to vector<2048x2048xf32>
    %add3A_13 = arith.addf %add3A, %add3A_12 : vector<2048x2048xf32>
    %mul3A = arith.constant 2.000000e+00 : f32
    %mul3A_14 = vector.broadcast %mul3A : f32 to vector<2048x2048xf32>
    %mul3A_15 = arith.mulf %mul3A_14, %dot_general3A_5 : vector<2048x2048xf32>
    %sub3A = arith.subf %add3A_13, %mul3A_15 : vector<2048x2048xf32>
    %reduce_min3A = arith.constant dense<0x7F800000> : vector<2048xf32>
    %reduce_min3A_16 = vector.multi_reduction <minimumf>, %sub3A, %reduce_min3A [1] : vector<2048x2048xf32> to vector<2048xf32>
    %broadcast_in_dim3A = vector.shape_cast %reduce_min3A_16 : vector<2048xf32> to vector<2048x1xf32>
    %iota3A = tpu.iota {dimensions = array<i32: 1>} : vector<2048x2048xi32>
    %mul3A_17 = arith.constant 2048 : i32
    %mul3A_18 = arith.muli %arg1, %mul3A_17 : i32
    %add3A_19 = vector.broadcast %mul3A_18 : i32 to vector<2048x2048xi32>
    %add3A_20 = arith.addi %iota3A, %add3A_19 : vector<2048x2048xi32>
    %eq3A = vector.broadcast %broadcast_in_dim3A : vector<2048x1xf32> to vector<2048x2048xf32>
    %eq3A_21 = arith.cmpf oeq, %sub3A, %eq3A : vector<2048x2048xf32>
    %jit3A = arith.constant 1073741824 : i32
    %broadcast_in_dim3A_22 = vector.broadcast %jit3A : i32 to vector<2048x2048xi32>
    %select_n3A = arith.select %eq3A_21, %add3A_20, %broadcast_in_dim3A_22 : vector<2048x2048xi1>, vector<2048x2048xi32>
    %reduce_min3A_23 = arith.constant dense<2147483647> : vector<2048xi32>
    %reduce_min3A_24 = vector.multi_reduction <minsi>, %select_n3A, %reduce_min3A_23 [1] : vector<2048x2048xi32> to vector<2048xi32>
    %broadcast_in_dim3A_25 = vector.shape_cast %reduce_min3A_24 : vector<2048xi32> to vector<2048x1xi32>
    %eq3A_26 = arith.constant 0 : i32
    %eq3A_27 = arith.cmpi eq, %arg1, %eq3A_26 : i32
    %convert_element_type3A = arith.extui %eq3A_27 : i1 to i32
    %cond3A = arith.constant 0 : i32
    %cond3A_28 = arith.cmpi ne, %convert_element_type3A, %cond3A : i32
    scf.if %cond3A_28 {
      %swap3A = arith.constant 0 : index
      %swap3A_38 = arith.constant 0 : index
      %swap3A_39 = vector.load %arg7[%swap3A, %swap3A_38] : memref<2048x1xf32, #tpu.memory_space<vmem>>, vector<2048x1xf32>
      tpu.vector_store %arg7[%swap3A, %swap3A_38], %broadcast_in_dim3A {strides = array<i32>} : memref<2048x1xf32, #tpu.memory_space<vmem>>, vector<2048x1xf32>,
      %swap3A_40 = arith.constant 0 : index
      %swap3A_41 = arith.constant 0 : index
      %swap3A_42 = vector.load %arg8[%swap3A_40, %swap3A_41] : memref<2048x1xi32, #tpu.memory_space<vmem>>, vector<2048x1xi32>
      tpu.vector_store %arg8[%swap3A_40, %swap3A_41], %broadcast_in_dim3A_25 {strides = array<i32>} : memref<2048x1xi32, #tpu.memory_space<vmem>>, vector<2048x1xi32>,
    } else {
    }
    %gt3A = arith.constant 0 : i32
    %gt3A_29 = arith.cmpi sgt, %arg1, %gt3A : i32
    %convert_element_type3A_30 = arith.extui %gt3A_29 : i1 to i32
    %cond3A_31 = arith.constant 0 : i32
    %cond3A_32 = arith.cmpi ne, %convert_element_type3A_30, %cond3A_31 : i32
    scf.if %cond3A_32 {
      %get3A_38 = arith.constant 0 : index
      %get3A_39 = arith.constant 0 : index
      %get3A_40 = vector.load %arg7[%get3A_38, %get3A_39] : memref<2048x1xf32, #tpu.memory_space<vmem>>, vector<2048x1xf32>
      %convert_element_type3A_41 = arith.truncf %get3A_40 : vector<2048x1xf32> to vector<2048x1xbf16>
      %convert_element_type3A_42 = arith.extf %convert_element_type3A_41 : vector<2048x1xbf16> to vector<2048x1xf32>
      %get3A_43 = arith.constant 0 : index
      %get3A_44 = arith.constant 0 : index
      %get3A_45 = vector.load %arg8[%get3A_43, %get3A_44] : memref<2048x1xi32, #tpu.memory_space<vmem>>, vector<2048x1xi32>
      %lt3A = arith.cmpf olt, %broadcast_in_dim3A, %convert_element_type3A_42 : vector<2048x1xf32>
      %eq3A_46 = arith.cmpf oeq, %broadcast_in_dim3A, %convert_element_type3A_42 : vector<2048x1xf32>
      %lt3A_47 = arith.cmpi slt, %broadcast_in_dim3A_25, %get3A_45 : vector<2048x1xi32>
      %and3A = arith.andi %eq3A_46, %lt3A_47 : vector<2048x1xi1>
      %or3A = arith.ori %lt3A, %and3A : vector<2048x1xi1>
      %select_n3A_48 = arith.select %or3A, %broadcast_in_dim3A, %convert_element_type3A_42 : vector<2048x1xi1>, vector<2048x1xf32>
      %swap3A = arith.constant 0 : index
      %swap3A_49 = arith.constant 0 : index
      %swap3A_50 = vector.load %arg7[%swap3A, %swap3A_49] : memref<2048x1xf32, #tpu.memory_space<vmem>>, vector<2048x1xf32>
      tpu.vector_store %arg7[%swap3A, %swap3A_49], %select_n3A_48 {strides = array<i32>} : memref<2048x1xf32, #tpu.memory_space<vmem>>, vector<2048x1xf32>,
      %select_n3A_51 = arith.select %or3A, %broadcast_in_dim3A_25, %get3A_45 : vector<2048x1xi1>, vector<2048x1xi32>
      %swap3A_52 = arith.constant 0 : index
      %swap3A_53 = arith.constant 0 : index
      %swap3A_54 = vector.load %arg8[%swap3A_52, %swap3A_53] : memref<2048x1xi32, #tpu.memory_space<vmem>>, vector<2048x1xi32>
      tpu.vector_store %arg8[%swap3A_52, %swap3A_53], %select_n3A_51 {strides = array<i32>} : memref<2048x1xi32, #tpu.memory_space<vmem>>, vector<2048x1xi32>,
    } else {
    }
    %eq3A_33 = arith.constant 3 : i32
    %eq3A_34 = arith.cmpi eq, %arg1, %eq3A_33 : i32
    %convert_element_type3A_35 = arith.extui %eq3A_34 : i1 to i32
    %cond3A_36 = arith.constant 0 : i32
    %cond3A_37 = arith.cmpi ne, %convert_element_type3A_35, %cond3A_36 : i32
    scf.if %cond3A_37 {
      %get3A_38 = arith.constant 0 : index
      %get3A_39 = arith.constant 0 : index
      %get3A_40 = vector.load %arg8[%get3A_38, %get3A_39] : memref<2048x1xi32, #tpu.memory_space<vmem>>, vector<2048x1xi32>
      %swap3A = arith.constant 0 : index
      %swap3A_41 = arith.constant 0 : index
      %swap3A_42 = vector.load %arg6[%swap3A, %swap3A_41] : memref<2048x1xi32, #tpu.memory_space<vmem>>, vector<2048x1xi32>
      tpu.vector_store %arg6[%swap3A, %swap3A_41], %get3A_40 {strides = array<i32>} : memref<2048x1xi32, #tpu.memory_space<vmem>>, vector<2048x1xi32>,
    } else {
    }
    return
  }
  func.func @transform_0(%arg0: i32, %arg1: i32) -> (i32, i32) {
    %c0_i32 = arith.constant 0 : i32
    %c0_i32_0 = arith.constant 0 : i32
    return %arg0, %c0_i32 : i32, i32
  }
  func.func @transform_1(%arg0: i32, %arg1: i32) -> (i32, i32) {
    %c0_i32 = arith.constant 0 : i32
    %c0_i32_0 = arith.constant 0 : i32
    return %c0_i32, %arg1 : i32, i32
  }
  func.func @transform_2(%arg0: i32, %arg1: i32) -> (i32, i32) {
    %c0_i32 = arith.constant 0 : i32
    %c0_i32_0 = arith.constant 0 : i32
    return %arg0, %c0_i32 : i32, i32
  }
  func.func @transform_3(%arg0: i32, %arg1: i32) -> (i32, i32) {
    %c0_i32 = arith.constant 0 : i32
    %c0_i32_0 = arith.constant 0 : i32
    return %arg1, %c0_i32 : i32, i32
  }
  func.func @transform_4(%arg0: i32, %arg1: i32) -> (i32, i32) {
    %c0_i32 = arith.constant 0 : i32
    %c0_i32_0 = arith.constant 0 : i32
    return %arg0, %c0_i32 : i32, i32
  }
}

</mosaic_0001>

<sc_bundles>
// kernel: gather_offload_async_start
scs
__scs_entry_jumppad:
0x0: {  	(pc) =	sbr.rel $0x88, $3  }
0x1: {  	(tag) =	ssettag $0x0;
	lr =	simm.s32 $0x1  }
0x2: {  	[smem:$0x3F93] =	sst lr;
	_ =	strace $0xD0000000  }
0x3: {  	_ = 	snop  }
0x4: {  	_ = 	snop  }
0x5: {  	_ = 	snop  }
0x6: {  	_ = 	snop  }
0x7: {  	_ = 	snop  }
__scs_overlays_trampoline_lowered:
0x8: {  	[smem:$0x3FA2] =	sst s0  }
0x9: {  	[smem:$0x3FA3] =	sst s1  }
0xa: {  	[smem:$0x3FA4] =	sst s2  }
0xb: {  	[smem:$0x3FA5] =	sst s3  }
0xc: {  	[smem:$0x3FA6] =	sst s4  }
0xd: {  	[smem:$0x3FA7] =	sst s5  }
0xe: {  	[smem:$0x3FA8] =	sst s6  }
0xf: {  	[smem:$0x3FA9] =	sst s7  }
0x10: {  	[smem:$0x3FAA] =	sst s8  }
0x11: {  	[smem:$0x3FAB] =	sst s9;
	s0 =	simm.s32 @!p0 $0x0  }
0x12: {  	s1 =	sld [smem:$0x3F91];
	s0 =	simm.s32 @p0 $0x1  }
0x13: {  	[smem:$0x3FAC] =	sst s0;
	s0 =	simm.s32 @!p1 $0x0  }
0x14: {  	s2 =	sld [smem:$0x3F90];
	s0 =	simm.s32 @p1 $0x1  }
0x15: {  	[smem:$0x3FAD] =	sst s0;
	s0 =	simm.s32 @!p2 $0x0  }
0x16: {  	s3 =	sld [smem:$0x3FDB];
	s0 =	simm.s32 @p2 $0x1  }
0x17: {  	s4 =	simm.s32 $0x1BF5;
	[smem:$0x3FAF] =	sst s0  }
0x18: {  	s0 =	sld [smem:$0x3F92];
	_ =	swait.ge [sflag:s4], $0x0  }
0x19: {  	s7 =	sld [smem:$0x3F93]  }
0x1a: {  	s8 =	sadd.s32 $0xFFFFE003, lr  }
0x1b: {  	s9 =	sadd.s32 $0xFFFFFEF7, lr;
	s5 =	simm.s32 $0xFFFFFFFF;
	p2 =	slt.u32 s8, $0xFFFFF086  }
0x1c: {  	p1 =	slt.u32 s9, $0xF7A;
	s5 =	simm.s32 @!p2 $0x0  }
0x1d: {  	s5 =	simm.s32 @p1 $0x1;
	p0 =	seq.s32 s7, s2  }
0x1e: {  	s7 =	smul.u32 @!p0 $0xF7A, s2;
	p2 =	seq.s32 @!p0 s5, $0x0  }
0x1f: {  	s9 =	smul.u32 $0xF7A, s1;
	s8 =	simm.s32 @!p0 $0x1BF5;
	p2 =	por !p2, p0  }
0x20: {  	[sflag:s8] =	ssyncset.s32 @!p0 $0xFFFFF086;
	s6 =	sadd.s32 @!p0 s3, s7;
	s7 =	simm.s32 @!p0 $0x108  }
0x21: {  	s3 =	sadd.s32 s3, s9;
	s6 =	sadd.s32 @!p0 $0x88, s6;
	s7 =	simm.s32 @p2 $0x1082  }
0x22: {  	[simem:s7], [sflag:s8] =	dma.local @!p0 [hbm:s6], $0xF7A  }
0x23: {  	s9 =	sor.u32 $0xD0000000, s2;
	s6 =	simm.s32 $0x108;
	_ =	swait.ge @!p0 [sflag:s8], $0x0  }
0x24: {  	s3 =	sadd.s32 $0x88, s3;
	s6 =	simm.s32 @!p1 $0x1082;
	[sflag:s4] =	ssyncset.s32 $0xFFFFF086  }
0x25: {  	[simem:s6], [sflag:s4] =	dma.local [hbm:s3], $0xF7A  }
0x26: {  	[smem:$0x3F93] =	sst s1;
	(tag) =	ssettag s2;
	_ =	strace s9  }
0x27: {  	s1 =	sld [smem:$0x3FA3]  }
0x28: {  	s2 =	sld [smem:$0x3FA4]  }
0x29: {  	s4 =	sld [smem:$0x3FA6]  }
0x2a: {  	p0 =	seq.s32 s5, $0x0;
	s5 =	sld [smem:$0x3FA7]  }
0x2b: {  	s6 =	sld [smem:$0x3FA8]  }
0x2c: {  	s7 =	sld [smem:$0x3FA9]  }
0x2d: {  	s3 =	simm.s32 $0x108;
	s8 =	sld [smem:$0x3FAA]  }
0x2e: {  	s3 =	simm.s32 @!p0 $0x1082;
	s9 =	sld [smem:$0x3FAB]  }
0x2f: {  	lr =	sadd.s32 s0, s3;
	s0 =	sld [smem:$0x3FA2]  }
0x30: {  	s3 =	sld [smem:$0x3FA5]  }
0x31: {  	[smem:$0x3FAE] =	sst s10  }
0x32: {  	s10 =	sld [smem:$0x3FAC];
	_ =	sdelay $0x3  }
0x33: {  	p0 =	seq.s32 s10, $0x1;
	s10 =	sld [smem:$0x3FAE];
	_ =	sdelay $0x3  }
0x34: {  	[smem:$0x3FAE] =	sst s10  }
0x35: {  	s10 =	sld [smem:$0x3FAD];
	_ =	sdelay $0x3  }
0x36: {  	p1 =	seq.s32 s10, $0x1;
	s10 =	sld [smem:$0x3FAE];
	_ =	sdelay $0x3  }
0x37: {  	[smem:$0x3FAE] =	sst s10  }
0x38: {  	s10 =	sld [smem:$0x3FAF]  }
0x39: {  	_ = 	snop;
	(pc) =	sbr.ind lr, $3  }
0x3a: {  	_ = 	snop  }
0x3b: {  	_ = 	snop  }
0x3c: {  	p2 =	seq.s32 s10, $0x1;
	s10 =	sld [smem:$0x3FAE]  }
0x3d: {  	_ =	shalt  }
0x3e: {  	_ =	shalt  }
0x3f: {  	_ =	shalt  }
0x40: {  	_ =	shalt  }
0x41: {  	_ =	shalt  }
0x42: {  	_ =	shalt  }
0x43: {  	_ =	shalt  }
0x44: {  	_ =	shalt  }
0x45: {  	_ =	shalt  }
0x46: {  	_ =	shalt  }
0x47: {  	_ =	shalt  }
0x48: {  	_ =	shalt  }
0x49: {  	_ =	shalt  }
0x4a: {  	_ =	shalt  }
0x4b: {  	_ =	shalt  }
0x4c: {  	_ =	shalt  }
0x4d: {  	_ =	shalt  }
0x4e: {  	_ =	shalt  }
0x4f: {  	_ =	shalt  }
0x50: {  	_ =	shalt  }
0x51: {  	_ =	shalt  }
0x52: {  	_ =	shalt  }
0x53: {  	_ =	shalt  }
0x54: {  	_ =	shalt  }
0x55: {  	_ =	shalt  }
0x56: {  	_ =	shalt  }
0x57: {  	_ =	shalt  }
0x58: {  	_ =	shalt  }
0x59: {  	_ =	shalt  }
0x5a: {  	_ =	shalt  }
0x5b: {  	_ =	shalt  }
0x5c: {  	_ =	shalt  }
0x5d: {  	_ =	shalt  }
0x5e: {  	_ =	shalt  }
0x5f: {  	_ =	shalt  }
0x60: {  	_ =	shalt  }
0x61: {  	_ =	shalt  }
0x62: {  	_ =	shalt  }
0x63: {  	_ =	shalt  }
0x64: {  	_ =	shalt  }
0x65: {  	_ =	shalt  }
0x66: {  	_ =	shalt  }
0x67: {  	_ =	shalt  }
0x68: {  	_ =	shalt  }
0x69: {  	_ =	shalt  }
0x6a: {  	_ =	shalt  }
0x6b: {  	_ =	shalt  }
0x6c: {  	_ =	shalt  }
0x6d: {  	_ =	shalt  }
0x6e: {  	_ =	shalt  }
0x6f: {  	_ =	shalt  }
0x70: {  	_ =	shalt  }
0x71: {  	_ =	shalt  }
0x72: {  	_ =	shalt  }
0x73: {  	_ =	shalt  }
0x74: {  	_ =	shalt  }
0x75: {  	_ =	shalt  }
0x76: {  	_ =	shalt  }
0x77: {  	_ =	shalt  }
0x78: {  	_ =	shalt  }
0x79: {  	_ =	shalt  }
0x7a: {  	_ =	shalt  }
0x7b: {  	_ =	shalt  }
0x7c: {  	_ =	shalt  }
0x7d: {  	_ =	shalt  }
0x7e: {  	_ =	shalt  }
0x7f: {  	_ =	shalt  }
0x80: {  	_ =	shalt  }
0x81: {  	_ =	shalt  }
0x82: {  	_ =	shalt  }
0x83: {  	_ =	shalt  }
0x84: {  	_ =	shalt  }
0x85: {  	_ =	shalt  }
0x86: {  	_ =	shalt  }
0x87: {  	_ =	shalt  }
.Lfunc_end0:
.L_simem_size_0:
called_computation_lowered:
.L_overlay_start_0:
0x88: {  	s2 =	sld [smem:$0x3FD9]  }
0x89: {  	s3 =	sld [smem:$0x3FFE];
	_ =	sdelay $0x1  }
0x8a: {  	s1 =	srdreg.scid  }
0x8b: {  	s0 =	sand.u32 $0x1, s1  }
0x8c: {  	s15 =	sshll.u32 s0, $0xA;
	s2 =	sadd.s32 s3, s2  }
0x8d: {  	s2 =	sadd.s32 s2, s15  }
0x8e: {  	[smem:$0x3FBA] =	sst s2  }
0x8f: {  	_ = 	snop  }
0x90: {  	s2 =	sld [smem:$0x3FD0];
	_ =	sdelay $0x2  }
0x91: {  	s4 =	simm.s32 $0xA;
	s5 =	simm.s32 $0x10;
	s16 =	sld [smem:$0x3FC2]  }
0x92: {  	[smem:s5], [sflag:s4] =	dma.local [hbm:s2], $0x1  }
0x93: {  	_ =	swait.eq [sflag:s4], $0x1  }
0x94: {  	[sflag:s4] =	ssyncset.done $0x0  }
0x95: {  	s17 =	sld [smem:$0x10];
	[sflag:s4] =	ssyncadd.s32 $0xFFFFFFFF  }
0x96: {  	s18 =	sld [smem:$0x11];
	(tm) =	ssettm $0x1  }
0x97: {  	s19 =	sld [smem:$0x3FFB];
	_ =	sdelay $0x3  }
0x98: {  	_ =	strace s19  }
0x99: {  	s5 =	sld [smem:$0x3FFC];
	_ =	sdelay $0x3  }
0x9a: {  	_ =	strace s5  }
0x9b: {  	s5 =	sld [smem:$0x3FFD];
	_ =	sdelay $0x3  }
0x9c: {  	_ =	strace s5  }
0x9d: {  	_ =	strace $0x8FFFFFFF  }
0x9e: {  	s20 =	sld [smem:$0x3FDB];
	_ =	sdelay $0x1  }
0x9f: {  	s6 =	simm.s32 $_scs_section_size  }
0xa0: {  	s7 =	simm.s32 $_size__tile_overlayer_lowered;
	s8 =	simm.s32 $_tile_overlayer_lowered  }
0xa1: {  	s23 =	simm.s32 $0x1BFF;
	s22 =	sshll.u32 s8, $0x1;
	s5 =	sadd.s32 s6, s20  }
0xa2: {  	s9 =	simm.s32 $0x0;
	s21 =	sshll.u32 s7, $0x1;
	s7 =	sadd.s32 s22, s5  }
0xa3: {  	[timem:s9], [sflag:s23] =	dma.local [hbm:s7], s21  }
0xa4: {  	_ =	swait.ge [sflag:s23], s21  }
0xa5: {  	s6 =	ssub.s32 $0x0, s21;
	[sflag:s23] =	ssyncset.done $0x0  }
0xa6: {  	[sflag:s23] =	ssyncadd.s32 s6;
	_ =	sdelay $0x1  }
0xa7: {  	s24 =	simm.s32 $0x1B8B  }
0xa8: {  	_ =	swait.ge [sflag:s24], $0x1  }
0xa9: {  	[sflag:s24] =	ssyncset.done $0x0  }
0xaa: {  	s25 =	simm.s32 $0x1B8E;
	[sflag:s24] =	ssyncadd.s32 $0xFFFFFFFF  }
0xab: {  	s26 =	simm.s32 $execute0_lowered;
	[smem:$0x3FD2] =	sst s25  }
0xac: {  	s6 =	sshll.u32 s26, $0x1;
	_ =	strace $0x80000046;
	[dreg:$0x1] =	wrdreg $0xFFFFFFFF  }
0xad: {  	s28 =	simm.s32 $_size_execute0_lowered;
	s5 =	sadd.s32 s5, s6;
	[dreg:$0x0] =	wrdreg $0x0  }
0xae: {  	s6 =	sshll.u32 s28, $0x1;
	[dreg:$0x2] =	wrdreg s5  }
0xaf: {  	[dreg:$0x3] =	wrdreg s6  }
0xb0: {  	[dreg:$0x4] =	wrdreg $0xC0  }
0xb1: {  	_ =	task [dreg:s9], $0x5FFFF  }
0xb2: {  	[dreg:$0x1] =	wrdreg $0xFFFFFFFF  }
0xb3: {  	[dreg:$0x0] =	wrdreg $0x60  }
0xb4: {  	[dreg:$0x2] =	wrdreg s16  }
0xb5: {  	[dreg:$0x3] =	wrdreg s17  }
0xb6: {  	[dreg:$0x4] =	wrdreg s18  }
0xb7: {  	[dreg:$0x5] =	wrdreg $0x9  }
0xb8: {  	_ =	task.clear_ibuf [dreg:s9], $0x6FFFF;
	_ =	strace $0x90000046  }
0xb9: {  	s29 =	simm.s32 $0x9;
	_ =	strace $0x80000048  }
0xba: {  	_ =	swait.ge [sflag:s29], $0x1  }
0xbb: {  	[sflag:s29] =	ssyncadd.s32 $0xFFFFFFFF  }
0xbc: {  	_ =	strace $0x90000048  }
0xbd: {  	_ =	sfence  }
0xbe: {  	s30 =	sld [smem:$0x0];
	_ =	sdelay $0x2  }
0xbf: {  	s31 =	sshll.u32 s1, $0xD;
	s1 =	sshrl.u32 s1, $0x2  }
0xc0: {  	s3 =	sand.u32 $0x4000, s31;
	s1 =	sadd.s32 s1, s30  }
0xc1: {  	s0 =	sor.u32 s3, s0;
	s1 =	sshll.u32 s1, $0x11  }
0xc2: {  	s0 =	sor.u32 s1, s0  }
0xc3: {  	s0 =	sadd.s32 $0x8F2B, s0  }
0xc4: {  	[sflag:s0] =	ssyncadd.remote.s32 $0x1  }
0xc5: {  	_ =	sfence.sel $0xFFFF  }
0xc6: {  	[dreg:$0x0] =	wrdreg $0xFFFFFFFF;
	(pc) =	sbr.abs _section_cstart, $3  }
0xc7: {  	[dreg:$0x1] =	wrdreg $0xFFFFFFFF  }
0xc8: {  	_ =	task.clear_ibuf [dreg:s9], $0x2FFFF;
	_ =	strace $0x9FFFFFFF  }
0xc9: {  	(tm) =	ssettm $0x7FFFFFFF  }
tec
execute0_lowered:
.L_overlay_start_1:
0x0: {  	(tag) =	ssettag $0x1  }
0x1: {  	s2 =	rddreg [dreg:$0x0]  }
0x2: {  	s3 =	rddreg [dreg:$0x1]  }
0x3: {  	s4 =	rddreg [dreg:$0x2]  }
0x4: {  	s0 =	rddreg [dreg:$0x3];
	s1 =	srdreg.scid  }
0x5: {  	_ =	strace $0x80000047;
	s5 =	simm.s32 $0x1;
	s6 =	sshll.u32 s1, $0x4  }
.Ltmp0:
0x6: {  	s1 =	stileid.u32;
	s6 =	sand.u32 $0x10, s6;
	(pc) =	sbr.rel .LBB2_1-.Ltmp0, $4  }
0x7: {  	s9 =	simm.s32 $0x3;
	s11 =	simm.s32 $0x0;
	s7 =	sor.u32 s1, s6  }
0x8: {  	[sflag:s5] =	ssyncpa.u1 $0x0;
	s6 =	simm.s32 $0x2;
	s7 =	sshll.u32 s7, $0x8  }
0x9: {  	p0 =	por $0x0, $0x0;
	[sflag:s6] =	ssyncpa.u1 $0x0;
	s8 =	sadd.s32 $0x100, s7  }
0xa: {  	vm0 =	vmmov $0xff;
	vm1 =	vcmask $0x3F20;
	[sflag:s9] =	ssyncpa.u1 $0x0;
	s10 =	smov.u32 s7;
	s9 =	simm.s32 $0x0  }
.LBB2_8:
0xb: {  	[hbm:s15] =	stream.linear.scatter [tilespmem:s12], [sflag:$0x3], $0x800, $0x38;
	[tilespmem:$0x10100] =	vst v63  }
.LBB2_9:
0xc: {  	p1 =	slt.u32 s9, $0x2;
	s11 =	sadd.s32 $0x80, s10  }
0xd: {  	s13 =	smov.u32 s7;
	s9 =	sadd.s32 $0x1, s9;
	p2 =	slt.s32 s11, s8  }
0xe: {  	s13 =	smov.u32 @p2 s11;
	p2 =	sne.s32 s9, $0x4  }
.Ltmp1:
0xf: {  	_ = 	snop;
	(pc) =	sbr.rel @!p2 .LBB2_10-.Ltmp1, $4  }
0x10: {  	s12 =	simm.s32 @!p1 $0x3  }
0x11: {  	_ =	swait.ge @!p1 [sflag:s12], $0x8000  }
0x12: {  	p0 =	por !p0, !p0;
	[sflag:s12] =	ssyncset.done @!p1 $0x0  }
0x13: {  	s11 =	smov.u32 s10;
	s10 =	smov.u32 s13;
	[sflag:s12] =	ssyncadd.s32 @!p1 $0xFFFF8000  }
.LBB2_1:
0x14: {  	p1 =	sgt.u32 s9, $0x1  }
0x15: {  	s12 =	sshll.u32 @!p1 s9, $0x7;
	s13 =	sshrl.u32 @!p1 s10, $0x3  }
0x16: {  	s14 =	sand.u32 @!p1 $0x7, s10;
	s12 =	sxor.u32 @!p1 $0x80, s12;
	s13 =	sadd.s32 @!p1 s3, s13  }
0x17: {  	[tilespmem:s12], [sflag:$0x2] =	stream.linear.gather @!p1 [hbm4b:s13+s14], $0x80, $0x38;
	[tilespmem:$0x10100] =	vst v63  }
0x18: {  	p1 =	seq.s32 s9, $0x0  }
0x19: {  	p2 =	seq.s32 @!p1 s9, $0x3  }
0x1a: {  	p1 =	por p1, p2  }
.Ltmp2:
0x1b: {  	_ = 	snop;
	(pc) =	sbr.rel @p1 .LBB2_9-.Ltmp2, $1  }
0x1c: {  	_ =	sdelay $0x3  }
0x1d: {  	s12 =	simm.s32 $0x1;
	_ =	swait.ge [sflag:s6], $0x80;
	s13 =	sand.u32 $0x1, s9  }
0x1e: {  	s15 =	simm.s32 $0x0;
	s12 =	simm.s32 @!p0 $0x0;
	[sflag:s6] =	ssyncset.done $0x0  }
0x1f: {  	s14 =	sshll.u32 s13, $0xF;
	s13 =	sshll.u32 s13, $0x7;
	s12 =	sshll.u32 s12, $0xF  }
0x20: {  	[sflag:s6] =	ssyncadd.s32 $0xFFFFFF80;
	s14 =	sor.u32 $0x100, s14;
	s12 =	sor.u32 $0x100, s12  }
.LBB2_3:
0x21: {  	s16 =	sshll.u32 s15, $0x4  }
0x22: {  	s16 =	sand.u32 $0x3FFFFFF0, s16  }
0x23: {  	s16 =	sadd.s32 s16, s13  }
0x24: {  	v0 =	vld.msk [tilespmem:s16+$0x0 ss:$0x1], $0xffff;
	_ =	sdelay $0x4  }
0x25: {  	vm2 =	vgt.s32 v0, $0x0  }
0x26: {  	v0 =	vnsel vm2, $0x0, v0  }
0x27: {  	v0 =	vmin.u32 v0, $0x1FFF  }
0x28: {  	s31 =	sshll.u32 s15, $0xC;
	v1 =	vshll.u32 v0, $0x5;
	v0 =	vshll.u32 v0, $0x4  }
0x29: {  	s16 =	sand.u32 $0x3FFFF000, s31;
	v1 =	vand.u32 $0x3FF00, v1;
	v0 =	vand.u32 $0x70, v0  }
0x2a: {  	p1 =	por $0x1, $0x1;
	s17 =	simm.s32 $0x0;
	s16 =	sadd.s32 s16, s14;
	v0 =	vor.u32 v0, v1  }
.LBB2_4:
0x2b: {  	_ =	sdelay $0x1  }
0x2c: {  	s17 =	sshra.s32 s17, $0x2;
	p2 =	por p1, p1  }
.Ltmp3:
0x2d: {  	s17 =	sadd.s32 s17, s16;
	(pc) =	sbr.rel @p2 .LBB2_4-.Ltmp3, $4  }
0x2e: {  	[tilespmem:s17], [sflag:$0x1] =	stream.indirect_vreg.gather [hbm:s2], $0x80, v0, vm0, $0x38;
	[tilespmem:$0x10100] =	vst v63  }
0x2f: {  	s17 =	sadd.s32 $0x800, s17  }
0x30: {  	[tilespmem:s17], [sflag:$0x1] =	stream.indirect_vreg.gather [hbm:s2], $0x80, v0, vm1, $0x38;
	[tilespmem:$0x10100] =	vst v63  }
0x31: {  	p1 =	por $0x0, $0x0;
	v0 =	vadd.s32 $0x80, v0;
	s17 =	simm.s32 $0x1000  }
0x32: {  	s15 =	sadd.s32 $0x1, s15  }
0x33: {  	p1 =	sne.s32 s15, $0x8  }
.Ltmp4:
0x34: {  	_ = 	snop;
	(pc) =	sbr.rel @p1 .LBB2_3-.Ltmp4, $1  }
0x35: {  	_ =	sdelay $0x3  }
0x36: {  	s13 =	sshll.u32 s11, $0x5  }
0x37: {  	s31 =	sshll.u32 s11, $0x4;
	s13 =	sand.u32 $0xFFFFFF00, s13  }
0x38: {  	_ =	swait.ge [sflag:s5], $0x8000;
	s11 =	sand.u32 $0x70, s31;
	s13 =	sadd.s32 s13, s4  }
0x39: {  	s14 =	sadd.s32 $0x800, s12;
	[sflag:s5] =	ssyncset.done $0x0;
	s11 =	sadd.s32 s11, s13  }
0x3a: {  	[sflag:s5] =	ssyncadd.s32 $0xFFFF8000;
	s13 =	simm.s32 $0x100;
	s15 =	sadd.s32 $0x0, s11  }
.LBB2_7:
0x3b: {  	[hbm:s15] =	stream.linear.scatter [tilespmem:s12], [sflag:$0x3], $0x800, $0x38;
	[tilespmem:$0x10100] =	vst v63  }
0x3c: {  	s15 =	smov.u32 s13;
	s12 =	smov.u32 s14;
	p1 =	sne.s32 s13, $0xF00  }
.Ltmp5:
0x3d: {  	s13 =	sadd.s32 $0x100, s13;
	(pc) =	sbr.rel @p1 .LBB2_7-.Ltmp5, $2  }
0x3e: {  	_ =	sdelay $0x2  }
0x3f: {  	s14 =	sadd.s32 $0x800, s14;
	s15 =	sadd.s32 s15, s11  }
.Ltmp6:
0x40: {  	_ = 	snop;
	(pc) =	sbr.rel .LBB2_8-.Ltmp6, $1  }
0x41: {  	_ =	sdelay $0x3  }
.LBB2_10:
0x42: {  	_ =	sfence.sel $0x180000  }
0x43: {  	s2 =	simm.s32 $0x2;
	[bflag:$0x0] =	sbarrier.arrive $0xFFFF  }
0x44: {  	s30 =	simm.s32 $0x3;
	[sflag:s2] =	ssyncpa.u1 $0x1  }
0x45: {  	s31 =	simm.s32 $0x1;
	[sflag:s30] =	ssyncpa.u1 $0x1  }
0x46: {  	[sflag:s31] =	ssyncpa.u1 $0x1  }
0x47: {  	p0 =	sne.s32 s1, $0x0;
	_ =	strace $0x90000047  }
0x48: {  	s0 =	sadd.s32 @!p0 $0x100000, s0;
	[bflag:$0x2] =	sbarrier.arrive $0xFFFF  }
0x49: {  	[sflag:s0] =	ssyncadd.tile.s32 @!p0 $0x1;
	_ =	shalt  }
.Lfunc_end2:
_tile_overlayer_lowered:
.L_overlay_start_2:
0x4a: {  	(tag) =	ssettag $0x2  }
0x4b: {  	s0 =	rddreg [dreg:$0x0];
	s2 =	stileid.u32  }
0x4c: {  	s1 =	rddreg [dreg:$0x1];
	p0 =	sne.s32 s2, $0x0  }
0x4d: {  	s3 =	rddreg [dreg:$0x2];
	[bflag:$0x3] =	sbarrier.arrive $0xFFFF;
	s2 =	simm.s32 @!p0 $0x1C01  }
0x4e: {  	[timem:s3], [sflag:s2] =	dma.local @!p0 [hbm:s0], s1  }
0x4f: {  	s0 =	simm.s32 @!p0 $0x1  }
0x50: {  	_ =	swait.ge @!p0 [sflag:s0], s1  }
0x51: {  	s1 =	ssub.s32 @!p0 $0x0, s1;
	[sflag:s0] =	ssyncset.done @!p0 $0x0  }
0x52: {  	[sflag:s0] =	ssyncadd.s32 @!p0 s1  }
0x53: {  	[bflag:$0x3] =	sbarrier.arrive $0xFFFF  }
0x54: {  	_ =	shalt  }

</sc_bundles>
